<compile_context>
chip_gen: v7x
topology: tpu7x:2x2x1
jax: 0.10.2.dev20260603
libtpu: 0.0.44.dev20260713+nightly
codegen_flags: <defaults>
</compile_context>

<pallas_src>
import jax
import jax.numpy as jnp
from jax.experimental import pallas as pl
from jax.experimental.pallas import tpu as pltpu

_BNP = 8192


def _mlp_body(x_ref, w1_ref, b1_ref, w2_ref, b2_ref, o_ref):
    x = x_ref[...]
    h = jnp.dot(x, w1_ref[...], preferred_element_type=jnp.float32)
    h = h + b1_ref[...]
    h = jnp.where(h >= 0, h, 0.01 * h)
    o2 = jnp.dot(h, w2_ref[...], preferred_element_type=jnp.float32)
    o2 = o2 + b2_ref[...]
    o2 = o2.reshape(_BNP // 2, 2, 64)
    o_ref[:, 0:64] = o2[:, 0, :]
    o_ref[:, 64:128] = o2[:, 1, :]


def kernel(batch_x, W1, b1, W2, b2):
    n, d_in = batch_x.shape
    d_h = W1.shape[0]
    n_bins = W2.shape[0]

    eye2 = jnp.eye(2, dtype=batch_x.dtype)
    w1b = jnp.kron(eye2, W1.T)
    w2b = jnp.kron(eye2, W2.T)
    b1b = jnp.tile(b1, 2).reshape(1, 2 * d_h)
    b2b = jnp.tile(b2, 2).reshape(1, 2 * n_bins)

    xp = batch_x.reshape(n // 2, 2 * d_in)

    grid = (n // 2) // _BNP
    outp = pl.pallas_call(
        _mlp_body,
        grid=(grid,),
        in_specs=[
            pl.BlockSpec((_BNP, 2 * d_in), lambda i: (i, 0)),
            pl.BlockSpec((2 * d_in, 2 * d_h), lambda i: (0, 0)),
            pl.BlockSpec((1, 2 * d_h), lambda i: (0, 0)),
            pl.BlockSpec((2 * d_h, 2 * n_bins), lambda i: (0, 0)),
            pl.BlockSpec((1, 2 * n_bins), lambda i: (0, 0)),
        ],
        out_specs=pl.BlockSpec((_BNP // 2, 4 * n_bins), lambda i: (i, 0)),
        out_shape=jax.ShapeDtypeStruct((n // 4, 4 * n_bins), jnp.float32),
        compiler_params=pltpu.CompilerParams(
            dimension_semantics=("parallel",),
        ),
    )(xp, w1b, b1b, w2b, b2b)
    return outp.reshape(n, n_bins)

# --- scband reference (transcript-rebuilt; emitter-appended) ---
"""Pipeline reference for scband-categorical-cross-entropy-54271206752818 (READ-ONLY COPY).

The authoritative reference and input builder live on the scoring server;
editing this copy changes nothing except your own understanding.
"""

import jax, jax.numpy as jnp
import numpy as np

N = 2097152
D_IN = 64
D_H = 64
N_BINS = 32


def setup_inputs(seed: int = 0) -> dict:
    key = jax.random.key(seed)
    k1, k2, k3, k4, k5 = jax.random.split(key, 5)
    x = jax.random.normal(k1, (N, D_IN), dtype=jnp.float32)
    lim1 = 1.0 / np.sqrt(D_IN)
    W1 = jax.random.uniform(k2, (D_H, D_IN), minval=-lim1, maxval=lim1, dtype=jnp.float32)
    b1 = jax.random.uniform(k3, (D_H,), minval=-lim1, maxval=lim1, dtype=jnp.float32)
    lim2 = 1.0 / np.sqrt(D_H)
    W2 = jax.random.uniform(k4, (N_BINS, D_H), minval=-lim2, maxval=lim2, dtype=jnp.float32)
    b2 = jax.random.uniform(k5, (N_BINS,), minval=-lim2, maxval=lim2, dtype=jnp.float32)
    return {"batch_x": x, "W1": W1, "b1": b1, "W2": W2, "b2": b2}


def reference(batch_x, W1, b1, W2, b2):
    # CategoricalCrossEntropy.forward(batch_x) -> self.mlp(batch_x)
    # MLP([64, 64, 32]) = Linear(64,64) -> LeakyReLU(0.01) -> Dropout(p=0.0, identity) -> Linear(64,32)
    h = batch_x @ W1.T + b1
    h = jnp.where(h >= 0, h, 0.01 * h)  # LeakyReLU default negative_slope=0.01
    # Dropout with p=0.0 is identity
    out = h @ W2.T + b2
    return out

if __name__ == "__main__":
    import jax
    _d = setup_inputs()
    print(jax.jit(kernel)(*tuple(_d.values())))

</pallas_src>

<mosaic_0001>
module attributes {stable_mosaic.version = 14 : i64} {
  func.func @_mlp_body(%arg0: i32, %arg1: memref<8192x128xf32, #tpu.memory_space<vmem>>, %arg2: memref<128x128xf32, #tpu.memory_space<vmem>>, %arg3: memref<1x128xf32, #tpu.memory_space<vmem>>, %arg4: memref<128x64xf32, #tpu.memory_space<vmem>>, %arg5: memref<1x64xf32, #tpu.memory_space<vmem>>, %arg6: memref<4096x128xf32, #tpu.memory_space<vmem>>) attributes {dimension_semantics = [#tpu.dimension_semantics<parallel>], iteration_bounds = array<i64: 128>, scalar_prefetch = 0 : i64, scratch_operands = 0 : i64, tpu.core_type = #tpu.core_type<tc>, window_params = [{transform_indices = @transform_0, window_bounds = array<i64: 8192, 128>}, {pipeline_mode = #tpu.pipeline_mode<synchronous>, transform_indices = @transform_1, window_bounds = array<i64: 128, 128>}, {pipeline_mode = #tpu.pipeline_mode<synchronous>, transform_indices = @transform_2, window_bounds = array<i64: 1, 128>}, {pipeline_mode = #tpu.pipeline_mode<synchronous>, transform_indices = @transform_3, window_bounds = array<i64: 128, 64>}, {pipeline_mode = #tpu.pipeline_mode<synchronous>, transform_indices = @transform_4, window_bounds = array<i64: 1, 64>}, {transform_indices = @transform_5, window_bounds = array<i64: 4096, 128>}]} {
    %get3A = arith.constant 0 : index
    %get3A_0 = arith.constant 0 : index
    %get3A_1 = vector.load %arg1[%get3A, %get3A_0] : memref<8192x128xf32, #tpu.memory_space<vmem>>, vector<8192x128xf32>
    %get3A_2 = arith.constant 0 : index
    %get3A_3 = arith.constant 0 : index
    %get3A_4 = vector.load %arg2[%get3A_2, %get3A_3] : memref<128x128xf32, #tpu.memory_space<vmem>>, vector<128x128xf32>
    %dot_general3A = arith.constant dense<0.000000e+00> : vector<8192x128xf32>
    %dot_general3A_5 = tpu.matmul %get3A_1, %get3A_4, %dot_general3A {dimension_numbers = #tpu.dot_dimension_numbers<[1], [0], [0], [1], [0, 0, 1, 1], [], []>, transpose_lhs_hint = false} : vector<8192x128xf32>, vector<128x128xf32>, vector<8192x128xf32> -> vector<8192x128xf32>
    %get3A_6 = arith.constant 0 : index
    %get3A_7 = arith.constant 0 : index
    %get3A_8 = vector.load %arg3[%get3A_6, %get3A_7] : memref<1x128xf32, #tpu.memory_space<vmem>>, vector<1x128xf32>
    %add3A = vector.broadcast %get3A_8 : vector<1x128xf32> to vector<8192x128xf32>
    %add3A_9 = arith.addf %dot_general3A_5, %add3A : vector<8192x128xf32>
    %ge3A = arith.constant 0.000000e+00 : f32
    %ge3A_10 = vector.broadcast %ge3A : f32 to vector<8192x128xf32>
    %ge3A_11 = arith.cmpf oge, %add3A_9, %ge3A_10 : vector<8192x128xf32>
    %mul3A = arith.constant 0.00999999977 : f32
    %mul3A_12 = vector.broadcast %mul3A : f32 to vector<8192x128xf32>
    %mul3A_13 = arith.mulf %mul3A_12, %add3A_9 : vector<8192x128xf32>
    %select_n3A = arith.select %ge3A_11, %add3A_9, %mul3A_13 : vector<8192x128xi1>, vector<8192x128xf32>
    %get3A_14 = arith.constant 0 : index
    %get3A_15 = arith.constant 0 : index
    %get3A_16 = vector.load %arg4[%get3A_14, %get3A_15] : memref<128x64xf32, #tpu.memory_space<vmem>>, vector<128x64xf32>
    %dot_general3A_17 = arith.constant dense<0.000000e+00> : vector<8192x64xf32>
    %dot_general3A_18 = tpu.matmul %select_n3A, %get3A_16, %dot_general3A_17 {dimension_numbers = #tpu.dot_dimension_numbers<[1], [0], [0], [1], [0, 0, 1, 1], [], []>, transpose_lhs_hint = false} : vector<8192x128xf32>, vector<128x64xf32>, vector<8192x64xf32> -> vector<8192x64xf32>
    %get3A_19 = arith.constant 0 : index
    %get3A_20 = arith.constant 0 : index
    %get3A_21 = vector.load %arg5[%get3A_19, %get3A_20] : memref<1x64xf32, #tpu.memory_space<vmem>>, vector<1x64xf32>
    %add3A_22 = vector.broadcast %get3A_21 : vector<1x64xf32> to vector<8192x64xf32>
    %add3A_23 = arith.addf %dot_general3A_18, %add3A_22 : vector<8192x64xf32>
    %reshape3A = vector.shape_cast %add3A_23 : vector<8192x64xf32> to vector<4096x2x64xf32>
    %slice3A = vector.extract_strided_slice %reshape3A {offsets = [0, 0, 0], sizes = [4096, 1, 64], strides = [1, 1, 1]} : vector<4096x2x64xf32> to vector<4096x1x64xf32>
    %squeeze3A = vector.shape_cast %slice3A : vector<4096x1x64xf32> to vector<4096x64xf32>
    %swap3A = arith.constant 0 : index
    %swap3A_24 = arith.constant 0 : index
    %swap3A_25 = vector.load %arg6[%swap3A, %swap3A_24] : memref<4096x128xf32, #tpu.memory_space<vmem>>, vector<4096x64xf32>
    tpu.vector_store %arg6[%swap3A, %swap3A_24], %squeeze3A {strides = array<i32>} : memref<4096x128xf32, #tpu.memory_space<vmem>>, vector<4096x64xf32>,
    %slice3A_26 = vector.extract_strided_slice %reshape3A {offsets = [0, 1, 0], sizes = [4096, 1, 64], strides = [1, 1, 1]} : vector<4096x2x64xf32> to vector<4096x1x64xf32>
    %squeeze3A_27 = vector.shape_cast %slice3A_26 : vector<4096x1x64xf32> to vector<4096x64xf32>
    %swap3A_28 = arith.constant 0 : index
    %swap3A_29 = arith.constant 64 : index
    %swap3A_30 = vector.load %arg6[%swap3A_28, %swap3A_29] : memref<4096x128xf32, #tpu.memory_space<vmem>>, vector<4096x64xf32>
    tpu.vector_store %arg6[%swap3A_28, %swap3A_29], %squeeze3A_27 {strides = array<i32>} : memref<4096x128xf32, #tpu.memory_space<vmem>>, vector<4096x64xf32>,
    return
  }
  func.func @transform_0(%arg0: i32) -> (i32, i32) {
    %c0_i32 = arith.constant 0 : i32
    %c0_i32_0 = arith.constant 0 : i32
    return %arg0, %c0_i32 : i32, i32
  }
  func.func @transform_1(%arg0: i32) -> (i32, i32) {
    %c0_i32 = arith.constant 0 : i32
    %c0_i32_0 = arith.constant 0 : i32
    %c0_i32_1 = arith.constant 0 : i32
    return %c0_i32, %c0_i32_0 : i32, i32
  }
  func.func @transform_2(%arg0: i32) -> (i32, i32) {
    %c0_i32 = arith.constant 0 : i32
    %c0_i32_0 = arith.constant 0 : i32
    %c0_i32_1 = arith.constant 0 : i32
    return %c0_i32, %c0_i32_0 : i32, i32
  }
  func.func @transform_3(%arg0: i32) -> (i32, i32) {
    %c0_i32 = arith.constant 0 : i32
    %c0_i32_0 = arith.constant 0 : i32
    %c0_i32_1 = arith.constant 0 : i32
    return %c0_i32, %c0_i32_0 : i32, i32
  }
  func.func @transform_4(%arg0: i32) -> (i32, i32) {
    %c0_i32 = arith.constant 0 : i32
    %c0_i32_0 = arith.constant 0 : i32
    %c0_i32_1 = arith.constant 0 : i32
    return %c0_i32, %c0_i32_0 : i32, i32
  }
  func.func @transform_5(%arg0: i32) -> (i32, i32) {
    %c0_i32 = arith.constant 0 : i32
    %c0_i32_0 = arith.constant 0 : i32
    return %arg0, %c0_i32 : i32, i32
  }
}

</mosaic_0001>

<sc_bundles>
// kernel: sparse-core-data-format-call.cloned.1.call-start
scs
called_computation_lowered:
.L_overlay_start_0:
0x0: {  	s2 =	sld [smem:$0x3FD9]  }
0x1: {  	s3 =	sld [smem:$0x3FFE];
	_ =	sdelay $0x1  }
0x2: {  	s1 =	srdreg.scid  }
0x3: {  	s0 =	sand.u32 $0x1, s1  }
0x4: {  	s18 =	sshll.u32 s0, $0xA;
	s2 =	sadd.s32 s3, s2  }
0x5: {  	s2 =	sadd.s32 s2, s18  }
0x6: {  	[smem:$0x3FC3] =	sst s2  }
0x7: {  	_ = 	snop  }
0x8: {  	s2 =	sld [smem:$0x3FD0];
	(tm) =	ssettm $0x1  }
0x9: {  	s19 =	sld [smem:$0x3FFB];
	_ =	sdelay $0x3  }
0xa: {  	_ =	strace s19  }
0xb: {  	s3 =	sld [smem:$0x3FFC];
	_ =	sdelay $0x3  }
0xc: {  	_ =	strace s3  }
0xd: {  	s3 =	sld [smem:$0x3FFD];
	_ =	sdelay $0x3  }
0xe: {  	_ =	strace s3  }
0xf: {  	_ =	strace $0x8FFFFFFF  }
0x10: {  	s20 =	sld [smem:$0x3FDB];
	_ =	sdelay $0x1  }
0x11: {  	s4 =	simm.s32 $_scs_section_size  }
0x12: {  	s5 =	simm.s32 $_size__tile_overlayer_lowered;
	s6 =	simm.s32 $_tile_overlayer_lowered  }
0x13: {  	s23 =	simm.s32 $0x1BFF;
	s22 =	sshll.u32 s6, $0x1;
	s3 =	sadd.s32 s4, s20  }
0x14: {  	s7 =	simm.s32 $0x0;
	s21 =	sshll.u32 s5, $0x1;
	s5 =	sadd.s32 s22, s3  }
0x15: {  	[timem:s7], [sflag:s23] =	dma.local [hbm:s5], s21  }
0x16: {  	_ =	swait.ge [sflag:s23], s21  }
0x17: {  	s4 =	ssub.s32 $0x0, s21;
	[sflag:s23] =	ssyncset.done $0x0  }
0x18: {  	[sflag:s23] =	ssyncadd.s32 s4;
	_ =	sdelay $0x1  }
0x19: {  	s24 =	simm.s32 $0x1B8B  }
0x1a: {  	_ =	swait.ge [sflag:s24], $0x1  }
0x1b: {  	[sflag:s24] =	ssyncset.done $0x0  }
0x1c: {  	s26 =	simm.s32 $0x1B8E;
	s25 =	sld [smem:$0x3FFE];
	[sflag:s24] =	ssyncadd.s32 $0xFFFFFFFF  }
0x1d: {  	s27 =	simm.s32 $execute0_lowered;
	[smem:$0x3FD2] =	sst s26  }
0x1e: {  	s5 =	sshll.u32 s27, $0x1;
	_ =	strace $0x80000046;
	[dreg:$0x1] =	wrdreg $0xFFFFFFFF  }
0x1f: {  	s28 =	simm.s32 $_size_execute0_lowered;
	s3 =	sadd.s32 s3, s5;
	[dreg:$0x0] =	wrdreg $0x0  }
0x20: {  	s5 =	sshll.u32 s28, $0x1;
	[dreg:$0x2] =	wrdreg s3  }
0x21: {  	[dreg:$0x3] =	wrdreg s5  }
0x22: {  	[dreg:$0x4] =	wrdreg $0xC0  }
0x23: {  	_ =	task [dreg:s7], $0x5FFFF  }
0x24: {  	[dreg:$0x1] =	wrdreg $0xFFFFFFFF  }
0x25: {  	[dreg:$0x0] =	wrdreg $0x60  }
0x26: {  	[dreg:$0x2] =	wrdreg s25  }
0x27: {  	[dreg:$0x3] =	wrdreg s2  }
0x28: {  	[dreg:$0x4] =	wrdreg $0x9  }
0x29: {  	_ =	task.clear_ibuf [dreg:s7], $0x5FFFF;
	_ =	strace $0x90000046  }
0x2a: {  	s29 =	simm.s32 $0x9;
	_ =	strace $0x80000048  }
0x2b: {  	_ =	swait.ge [sflag:s29], $0x1  }
0x2c: {  	[sflag:s29] =	ssyncadd.s32 $0xFFFFFFFF  }
0x2d: {  	_ =	strace $0x90000048  }
0x2e: {  	_ =	sfence  }
0x2f: {  	s30 =	sld [smem:$0x0];
	_ =	sdelay $0x2  }
0x30: {  	s31 =	sshll.u32 s1, $0xD;
	s1 =	sshrl.u32 s1, $0x2  }
0x31: {  	s3 =	sand.u32 $0x4000, s31;
	s1 =	sadd.s32 s1, s30  }
0x32: {  	s0 =	sor.u32 s3, s0;
	s1 =	sshll.u32 s1, $0x11  }
0x33: {  	s0 =	sor.u32 s1, s0  }
0x34: {  	s0 =	sadd.s32 $0x8F2B, s0  }
0x35: {  	[sflag:s0] =	ssyncadd.remote.s32 $0x1  }
0x36: {  	_ =	sfence.sel $0xFFFF  }
0x37: {  	[dreg:$0x0] =	wrdreg $0xFFFFFFFF;
	(pc) =	sbr.abs _section_cstart, $3  }
0x38: {  	[dreg:$0x1] =	wrdreg $0xFFFFFFFF  }
0x39: {  	_ =	task.clear_ibuf [dreg:s7], $0x2FFFF;
	_ =	strace $0x9FFFFFFF  }
0x3a: {  	(tm) =	ssettm $0x7FFFFFFF  }
0x3b: {  	_ =	shalt  }
tec
execute0_lowered:
.L_overlay_start_1:
0x0: {  	(tag) =	ssettag $0x1  }
0x1: {  	s0 =	srdreg.scid  }
0x2: {  	s1 =	sshll.u32 s0, $0x4  }
0x3: {  	s4 =	rddreg [dreg:$0x0];
	s0 =	stileid.u32;
	s1 =	sand.u32 $0x10, s1  }
0x4: {  	s2 =	rddreg [dreg:$0x1];
	s7 =	simm.s32 $0x1;
	s1 =	sor.u32 s0, s1  }
0x5: {  	s8 =	simm.s32 $0x2;
	s11 =	simm.s32 $0x0;
	s3 =	sshll.u32 s1, $0x7  }
0x6: {  	s10 =	simm.s32 $0x0;
	s4 =	sadd.s32 $0xE00, s4;
	s6 =	ssub.s32 $0x200000, s3  }
.Ltmp0:
0x7: {  	s1 =	rddreg [dreg:$0x2];
	s5 =	sand.u32 $0xF80, s6;
	(pc) =	sbr.rel .LBB1_1-.Ltmp0, $4  }
0x8: {  	_ =	strace $0x80000047;
	s9 =	smov.u32 s3;
	p0 =	sne.s32 s5, $0x0  }
0x9: {  	s6 =	sshrl.u32 s6, $0xC;
	s5 =	simm.s32 $0x1;
	s7 =	simm.s32 @!p0 $0x0  }
0xa: {  	[sflag:s5] =	ssyncpa.u1 $0x0;
	p0 =	por $0x0, $0x0;
	s6 =	sadd.s32 s7, s6  }
0xb: {  	[sflag:s8] =	ssyncpa.u1 $0x0;
	s8 =	simm.s32 $0x1000000;
	s7 =	sadd.s32 $0x1, s6  }
.LBB1_4:
0xc: {  	s13 =	sshll.u32 s11, $0x3  }
0xd: {  	s15 =	sand.u32 $0x78, s11;
	s13 =	sand.u32 $0x1FFC00, s13  }
0xe: {  	s30 =	sand.u32 $0x7C0000, s11;
	s31 =	sand.u32 $0x7, s11;
	s13 =	sor.u32 s15, s13  }
0xf: {  	s11 =	sshll.u32 s31, $0x12;
	s15 =	sadd.s32 s2, s30;
	s13 =	sshrl.u32 s13, $0x3  }
0x10: {  	[tilespmem:s14+$0x0 ss:$0x81] =	vst.msk $0xffff, v0;
	s11 =	sor.u32 $0x400, s11;
	s13 =	sadd.s32 s13, s15  }
0x11: {  	[hbm4b:s13+s11] =	stream.strided.scatter [tilespmem:s12], [sflag:$0x2], $0x1000, s8, s11, $0x20;
	[tilespmem:$0x4040] =	vst v63  }
.LBB1_5:
0x12: {  	s13 =	sadd.s32 $0x1000, s9  }
0x13: {  	p2 =	sgt.s32 s13, $0x1FFFFF  }
0x14: {  	s13 =	smov.u32 @p2 s3;
	p2 =	sne.s32 s10, s7  }
.Ltmp1:
0x15: {  	p1 =	slt.u32 s10, $0x2;
	(pc) =	sbr.rel @!p2 .LBB1_6-.Ltmp1, $4  }
0x16: {  	s12 =	simm.s32 @!p1 $0x2  }
0x17: {  	s14 =	sadd.s32 $0x1, s10;
	_ =	swait.ge @!p1 [sflag:s12], $0x1000  }
0x18: {  	s11 =	smov.u32 s9;
	p0 =	por !p0, !p0;
	[sflag:s12] =	ssyncset.done @!p1 $0x0  }
0x19: {  	s10 =	smov.u32 s14;
	s9 =	smov.u32 s13;
	[sflag:s12] =	ssyncadd.s32 @!p1 $0xFFFFF000  }
.LBB1_1:
0x1a: {  	p1 =	sge.u32 s10, s6  }
0x1b: {  	s31 =	sadd.s32 $0xFFFFFFFF, s10;
	s12 =	sxor.u32 @!p1 $0xFFFFFFFF, s10;
	s13 =	sshll.u32 @!p1 s9, $0x4  }
0x1c: {  	s14 =	simm.s32 @!p1 $0x20;
	s12 =	sshll.u32 @!p1 s12, $0xC;
	s13 =	sand.u32 @!p1 $0x1FFFFF0, s13  }
0x1d: {  	s15 =	simm.s32 @!p1 $0x80;
	s12 =	sand.u32 @!p1 $0x1000, s12;
	s13 =	sadd.s32 @!p1 s4, s13  }
0x1e: {  	[tilespmem:s12], [sflag:$0x1] =	stream.strided.gather @!p1 [hbm4b:s13+s14], $0x1000, s15, s14, $0x38;
	[tilespmem:$0x4040] =	vst v63  }
0x1f: {  	p1 =	sge.u32 s31, s6  }
.Ltmp2:
0x20: {  	_ = 	snop;
	(pc) =	sbr.rel @p1 .LBB1_5-.Ltmp2, $1  }
0x21: {  	_ =	sdelay $0x3  }
0x22: {  	s12 =	simm.s32 $0x1  }
0x23: {  	_ =	swait.ge [sflag:s5], $0x1000;
	s12 =	simm.s32 @!p0 $0x0  }
0x24: {  	[sflag:s5] =	ssyncset.done $0x0;
	s13 =	sshll.u32 s12, $0xC  }
0x25: {  	[sflag:s5] =	ssyncadd.s32 $0xFFFFF000;
	s16 =	sor.u32 $0x10, s13  }
0x26: {  	s12 =	smul.u32 $0x4080, s12;
	v1 =	vld [tilespmem:s16+$0x0]  }
0x27: {  	s30 =	sand.u32 $0x1, s10;
	v0 =	vld [tilespmem:s16+$0xFFFFFFF0]  }
0x28: {  	s14 =	smul.u32 $0x4080, s30;
	s12 =	sshrl.u32 s12, $0x2  }
0x29: {  	s13 =	sor.u32 $0x2000, s12  }
0x2a: {  	s31 =	sshrl.u32 s14, $0x2;
	s14 =	sadd.s32 $0x0, s13  }
0x2b: {  	s15 =	simm.s32 $0x4;
	s16 =	sadd.s32 $0x20, s16;
	s12 =	sor.u32 $0x2000, s31;
	[tilespmem:s14+$0x810 ss:$0x81] =	vst.msk $0xffff, v1  }
.LBB1_3:
0x2c: {  	v1 =	vld [tilespmem:s16+$0x0];
	p1 =	sne.s32 s15, $0x1FC;
	[tilespmem:s14+$0x0 ss:$0x81] =	vst.msk $0xffff, v0;
	s14 =	smov.u32 s15;
	s15 =	sadd.s32 $0x4, s15  }
.Ltmp3:
0x2d: {  	v0 =	vld [tilespmem:s16+$0xFFFFFFF0];
	(pc) =	sbr.rel @p1 .LBB1_3-.Ltmp3, $4  }
0x2e: {  	_ = 	snop  }
0x2f: {  	s14 =	sshra.s32 s14, $0x2  }
0x30: {  	s14 =	sadd.s32 s14, s13  }
0x31: {  	s16 =	sadd.s32 $0x20, s16;
	[tilespmem:s14+$0x810 ss:$0x81] =	vst.msk $0xffff, v1  }
.Ltmp4:
0x32: {  	_ = 	snop;
	(pc) =	sbr.rel .LBB1_4-.Ltmp4, $1  }
0x33: {  	_ =	sdelay $0x3  }
.LBB1_6:
0x34: {  	_ =	sfence.sel $0x180000  }
0x35: {  	s2 =	simm.s32 $0x1;
	[bflag:$0x0] =	sbarrier.arrive $0xFFFF  }
0x36: {  	s31 =	simm.s32 $0x2;
	[sflag:s2] =	ssyncpa.u1 $0x1  }
0x37: {  	[sflag:s31] =	ssyncpa.u1 $0x1  }
0x38: {  	p0 =	sne.s32 s0, $0x0;
	_ =	strace $0x90000047  }
0x39: {  	s0 =	sadd.s32 @!p0 $0x100000, s1;
	[bflag:$0x2] =	sbarrier.arrive $0xFFFF  }
0x3a: {  	[sflag:s0] =	ssyncadd.tile.s32 @!p0 $0x1;
	_ =	shalt  }
.Lfunc_end1:
_tile_overlayer_lowered:
.L_overlay_start_2:
0x3b: {  	(tag) =	ssettag $0x2  }
0x3c: {  	s0 =	rddreg [dreg:$0x0];
	s2 =	stileid.u32  }
0x3d: {  	s1 =	rddreg [dreg:$0x1];
	p0 =	sne.s32 s2, $0x0  }
0x3e: {  	s3 =	rddreg [dreg:$0x2];
	[bflag:$0x3] =	sbarrier.arrive $0xFFFF;
	s2 =	simm.s32 @!p0 $0x1C01  }
0x3f: {  	[timem:s3], [sflag:s2] =	dma.local @!p0 [hbm:s0], s1  }
0x40: {  	s0 =	simm.s32 @!p0 $0x1  }
0x41: {  	_ =	swait.ge @!p0 [sflag:s0], s1  }
0x42: {  	s1 =	ssub.s32 @!p0 $0x0, s1;
	[sflag:s0] =	ssyncset.done @!p0 $0x0  }
0x43: {  	[sflag:s0] =	ssyncadd.s32 @!p0 s1  }
0x44: {  	[bflag:$0x3] =	sbarrier.arrive $0xFFFF  }
0x45: {  	_ =	shalt  }

</sc_bundles>
